<compile_context>
chip_gen: v7x
topology: tpu7x:2x2x1
jax: 0.10.2.dev20260603
libtpu: 0.0.44.dev20260713+nightly
codegen_flags: <defaults>
</compile_context>

<pallas_src>
import functools

import jax
import jax.numpy as jnp
from jax import lax
from jax.experimental import pallas as pl
from jax.experimental.pallas import tpu as pltpu
from jax.experimental.pallas import tpu_sc as plsc

N_IN = 16384
N_OUT = 128
B = 1024
KBLK = 2048

SC_COLS = 2048
TC_COLS = N_IN - SC_COLS
NB = TC_COLS // KBLK

NW = 32
ROWS_W = B // NW
CH = 1024
NCH = SC_COLS // CH
GP_CH = CH // 16



def _tc_main_kernel(x_ref, w_ref, idx_ref, out_ref, acc_ref):
    k = pl.program_id(0)
    idxv = idx_ref[0, 0, :]
    onehot = jnp.where(
        idxv[:, None] == jax.lax.broadcasted_iota(jnp.int32, (KBLK, N_OUT), 1),
        1.0,
        0.0,
    ).astype(jnp.bfloat16)
    xw = (x_ref[...] * w_ref[0, :][None, :]).astype(jnp.bfloat16)
    contrib = jnp.dot(xw, onehot, preferred_element_type=jnp.float32)

    @pl.when(k == 0)
    def _init():
        acc_ref[...] = contrib

    @pl.when(k > 0)
    def _acc():
        acc_ref[...] += contrib

    @pl.when(k == NB - 1)
    def _flush():
        out_ref[...] = acc_ref[...]


def _tc_main(x, weight, idx3):
    return pl.pallas_call(
        _tc_main_kernel,
        grid=(NB,),
        in_specs=[
            pl.BlockSpec((B, KBLK), lambda k: (0, k)),
            pl.BlockSpec((1, KBLK), lambda k: (0, k)),
            pl.BlockSpec((1, 1, KBLK), lambda k: (k, 0, 0)),
        ],
        out_specs=pl.BlockSpec((B, N_OUT), lambda k: (0, 0)),
        out_shape=jax.ShapeDtypeStruct((B, N_OUT), jnp.float32),
        scratch_shapes=[pltpu.VMEM((B, N_OUT), jnp.float32)],
    )(x, weight, idx3)



def _sc_partial(x, wsc, idxsc):
    mesh = plsc.VectorSubcoreMesh(core_axis_name="c", subcore_axis_name="s")

    @functools.partial(
        pl.kernel,
        mesh=mesh,
        out_type=jax.ShapeDtypeStruct((B * N_OUT,), jnp.float32),
        compiler_params=pltpu.CompilerParams(needs_layout_passes=False),
        scratch_types=[
            pltpu.VMEM((ROWS_W, CH), jnp.float32),
            pltpu.VMEM((SC_COLS,), jnp.float32),
            pltpu.VMEM((SC_COLS,), jnp.int32),
            pltpu.VMEM((ROWS_W * N_OUT,), jnp.float32),
        ],
    )
    def sc_kernel(x_hbm, w_hbm, idx_hbm, out_hbm, xbuf, wbuf, cbuf, acc):
        wid = lax.axis_index("s") * 2 + lax.axis_index("c")
        row0 = wid * ROWS_W
        pltpu.sync_copy(w_hbm, wbuf)
        pltpu.sync_copy(idx_hbm, cbuf)

        def zero_blk(i, _):
            acc[pl.ds(i * 16, 16)] = jnp.zeros((16,), jnp.float32)
            return 0

        lax.fori_loop(0, ROWS_W * N_OUT // 16, zero_blk, 0)

        def chunk_body(ci, _):
            pltpu.sync_copy(
                x_hbm.at[pl.ds(row0, ROWS_W), pl.ds(TC_COLS + ci * CH, CH)],
                xbuf,
            )

            def group_body(g, _):
                col0 = ci * CH + g * 16
                wv = wbuf[pl.ds(col0, 16)]
                capv = cbuf[pl.ds(col0, 16)]

                def row_body(r, _):
                    xv = xbuf[r, pl.ds(g * 16, 16)]
                    v = xv * wv
                    dst = capv + r * N_OUT
                    plsc.addupdate_scatter(acc, [dst], v)
                    return 0

                lax.fori_loop(0, ROWS_W, row_body, 0)
                return 0

            lax.fori_loop(0, GP_CH, group_body, 0)
            return 0

        lax.fori_loop(0, NCH, chunk_body, 0)
        pltpu.sync_copy(acc, out_hbm.at[pl.ds(row0 * N_OUT, ROWS_W * N_OUT)])

    return sc_kernel(x, wsc, idxsc).reshape(B, N_OUT)



def _combine_kernel(a_ref, b_ref, gamma_ref, beta_ref, co_ref, out_ref):
    h = jnp.maximum(a_ref[...] + b_ref[...], 0.0)
    mean = jnp.mean(h, axis=0, keepdims=True)
    d = h - mean
    var = jnp.mean(d * d, axis=0, keepdims=True)
    hn = d * jax.lax.rsqrt(var + 1e-5) * gamma_ref[...] + beta_ref[...]
    out_ref[...] = hn * jax.nn.sigmoid(co_ref[...])


def _combine(wx_tc, wx_sc, gamma2, beta2, co2):
    return pl.pallas_call(
        _combine_kernel,
        out_shape=jax.ShapeDtypeStruct((B, N_OUT), jnp.float32),
    )(wx_tc, wx_sc, gamma2, beta2, co2)


@jax.jit
def kernel(x, weight, gamma, beta, co_weight, idx):
    idx32 = idx.astype(jnp.int32)
    idx3 = idx32[:TC_COLS].reshape(NB, 1, KBLK)
    wsc = weight[0, TC_COLS:]
    idxsc = idx32[TC_COLS:]
    wx_tc = _tc_main(x, weight, idx3)
    wx_sc = _sc_partial(x, wsc, idxsc)
    return _combine(
        wx_tc,
        wx_sc,
        gamma.reshape(1, N_OUT),
        beta.reshape(1, N_OUT),
        co_weight.reshape(1, N_OUT),
    )

# --- scband reference (transcript-rebuilt; emitter-appended) ---
"""Pipeline reference for scband-spwmodules-layer-52656299049591 (READ-ONLY COPY).

The authoritative reference and input builder live on the scoring server;
editing this copy changes nothing except your own understanding.
"""

import jax, jax.numpy as jnp
import numpy as np

N_INPUT = 16384
N_OUTPUT = 128
BATCH = 1024


def setup_inputs(seed: int = 0) -> dict:
    key = jax.random.key(seed)
    ks = jax.random.split(key, 5)
    x = jax.random.normal(ks[0], (BATCH, N_INPUT), dtype=jnp.float32)
    idx = jnp.sort(jax.random.randint(ks[1], (N_INPUT,), 0, N_OUTPUT)).astype(jnp.int64)
    # xavier_uniform for weight of shape (1, n_input): bound = sqrt(6/(fan_in+fan_out)) = sqrt(6/(1+n_input))
    bound = float(np.sqrt(6.0 / (1.0 + N_INPUT)))
    weight = jax.random.uniform(ks[2], (1, N_INPUT), minval=-bound, maxval=bound, dtype=jnp.float32)
    # BatchNorm1d affine params (default init gamma=1, beta=0)
    gamma = jnp.ones((N_OUTPUT,), dtype=jnp.float32)
    beta = jnp.zeros((N_OUTPUT,), dtype=jnp.float32)
    # CancelOut weight: uniform(0, 4)
    co_weight = jax.random.uniform(ks[3], (N_OUTPUT,), minval=0.0, maxval=4.0, dtype=jnp.float32)
    return {"x": x, "weight": weight, "gamma": gamma, "beta": beta, "co_weight": co_weight, "idx": idx}


def reference(x, weight, gamma, beta, co_weight, idx):
    # WX = scatter_add(x * weight_broadcast, idx, dim=-1, dim_size=n_output)
    wx = x * weight  # [B, n_input]
    WX = jnp.zeros((x.shape[0], N_OUTPUT), dtype=x.dtype).at[:, idx].add(wx)
    # nonlinear = ReLU -> BatchNorm1d (training mode: batch statistics, biased var, eps=1e-5)
    h = jax.nn.relu(WX)
    mean = jnp.mean(h, axis=0)
    var = jnp.var(h, axis=0)
    hn = (h - mean) / jnp.sqrt(var + 1e-5) * gamma + beta
    # CancelOut (use_cancel_out=True); no_bias=True so bias is skipped
    return hn * jax.nn.sigmoid(co_weight)

if __name__ == "__main__":
    import jax
    _d = setup_inputs()
    print(jax.jit(kernel)(*tuple(_d.values())))

</pallas_src>

<mosaic_0001>
#map = affine_map<(d0, d1) -> (0, 0)>
#map1 = affine_map<(d0, d1) -> (0)>
module attributes {stable_mosaic.version = 14 : i64} {
  func.func @sc_kernel(%arg0: i32, %arg1: i32, %arg2: memref<1024x16384xf32, #tpu.memory_space<hbm>>, %arg3: memref<2048xf32, #tpu.memory_space<hbm>>, %arg4: memref<2048xi32, #tpu.memory_space<hbm>>, %arg5: memref<131072xf32, #tpu.memory_space<hbm>>, %arg6: memref<32x1024xf32, #tpu.memory_space<vmem>>, %arg7: memref<2048xf32, #tpu.memory_space<vmem>>, %arg8: memref<2048xi32, #tpu.memory_space<vmem>>, %arg9: memref<4096xf32, #tpu.memory_space<vmem>>) attributes {dimension_semantics = [#tpu.dimension_semantics<core_parallel>, #tpu.dimension_semantics<subcore_parallel>], iteration_bounds = array<i64: 2, 16>, scalar_prefetch = 0 : i64, scratch_operands = 4 : i64, tpu.core_type = #tpu.core_type<sc_vector_subcore>, window_params = [{transform_indices = #map}, {transform_indices = #map1}, {transform_indices = #map1}, {transform_indices = #map1}]} {
    %mul3A = arith.constant 2 : i32
    %mul3A_0 = arith.muli %arg1, %mul3A : i32
    %add3A = arith.addi %mul3A_0, %arg0 : i32
    %mul3A_1 = arith.constant 32 : i32
    %mul3A_2 = arith.muli %add3A, %mul3A_1 : i32
    "tpu.region"() ({
      %run_scoped3A = tpu.sem_alloc : memref<!tpu.dma_semaphore, #tpu.memory_space<semaphore_mem>>
      tpu.enqueue_dma source(%arg3 : memref<2048xf32, #tpu.memory_space<hbm>>) target(%arg7 : memref<2048xf32, #tpu.memory_space<vmem>>) target_semaphore(%run_scoped3A : memref<!tpu.dma_semaphore, #tpu.memory_space<semaphore_mem>>)
      tpu.wait_dma2 semaphore(%run_scoped3A : memref<!tpu.dma_semaphore, #tpu.memory_space<semaphore_mem>>) src(%arg3 : memref<2048xf32, #tpu.memory_space<hbm>>) dst(%arg7 : memref<2048xf32, #tpu.memory_space<vmem>>)
      tpu.yield
    }) : () -> ()
    "tpu.region"() ({
      %run_scoped3A = tpu.sem_alloc : memref<!tpu.dma_semaphore, #tpu.memory_space<semaphore_mem>>
      tpu.enqueue_dma source(%arg4 : memref<2048xi32, #tpu.memory_space<hbm>>) target(%arg8 : memref<2048xi32, #tpu.memory_space<vmem>>) target_semaphore(%run_scoped3A : memref<!tpu.dma_semaphore, #tpu.memory_space<semaphore_mem>>)
      tpu.wait_dma2 semaphore(%run_scoped3A : memref<!tpu.dma_semaphore, #tpu.memory_space<semaphore_mem>>) src(%arg4 : memref<2048xi32, #tpu.memory_space<hbm>>) dst(%arg8 : memref<2048xi32, #tpu.memory_space<vmem>>)
      tpu.yield
    }) : () -> ()
    %scan3A = arith.constant 0 : i32
    %scan3A_3 = arith.constant 0 : i32
    %scan3A_4 = arith.constant 256 : i32
    %scan3A_5 = arith.addi %scan3A_3, %scan3A_4 : i32
    %scan3A_6 = arith.constant 1 : i32
    %scan3A_7 = scf.for %scan3A_18 = %scan3A_3 to %scan3A_5 step %scan3A_6 iter_args(%scan3A_19 = %scan3A) -> (i32)  : i32 {
      %broadcast_in_dim3A = arith.constant 0.000000e+00 : f32
      %broadcast_in_dim3A_20 = vector.broadcast %broadcast_in_dim3A : f32 to vector<16xf32>
      %mul3A_21 = arith.constant 16 : i32
      %mul3A_22 = arith.muli %scan3A_18, %mul3A_21 : i32
      %swap3A = arith.index_cast %mul3A_22 : i32 to index
      %swap3A_23 = tpu.vector_load %arg9[%swap3A] {strides = array<i32>} : memref<4096xf32, #tpu.memory_space<vmem>>, vector<16xf32>,
      tpu.vector_store %arg9[%swap3A], %broadcast_in_dim3A_20 {strides = array<i32>} : memref<4096xf32, #tpu.memory_space<vmem>>, vector<16xf32>,
      %scan3A_24 = arith.constant 0 : i32
      scf.yield %scan3A_24 : i32
    }
    %scan3A_8 = arith.constant 256 : i32
    %scan3A_9 = arith.constant 0 : i32
    %scan3A_10 = arith.constant 0 : i32
    %scan3A_11 = arith.constant 2 : i32
    %scan3A_12 = arith.addi %scan3A_10, %scan3A_11 : i32
    %scan3A_13 = arith.constant 1 : i32
    %scan3A_14 = scf.for %scan3A_18 = %scan3A_10 to %scan3A_12 step %scan3A_13 iter_args(%scan3A_19 = %scan3A_9) -> (i32)  : i32 {
      %mul3A_20 = arith.constant 1024 : i32
      %mul3A_21 = arith.muli %scan3A_18, %mul3A_20 : i32
      %add3A_22 = arith.constant 14336 : i32
      %add3A_23 = arith.addi %add3A_22, %mul3A_21 : i32
      "tpu.region"() ({
        %run_scoped3A = tpu.sem_alloc : memref<!tpu.dma_semaphore, #tpu.memory_space<semaphore_mem>>
        %dma_start3A = tpu.memref_slice %arg2[%mul3A_2, %add3A_23] : memref<1024x16384xf32, #tpu.memory_space<hbm>> -> memref<32x1024xf32, #tpu.memory_space<hbm>>
        %dma_start3A_32 = tpu.memref_slice %arg2[%mul3A_2, %add3A_23] : memref<1024x16384xf32, #tpu.memory_space<hbm>> -> memref<32x1024xf32, #tpu.memory_space<hbm>>
        tpu.enqueue_dma source(%dma_start3A_32 : memref<32x1024xf32, #tpu.memory_space<hbm>>) target(%arg6 : memref<32x1024xf32, #tpu.memory_space<vmem>>) target_semaphore(%run_scoped3A : memref<!tpu.dma_semaphore, #tpu.memory_space<semaphore_mem>>)
        %dma_wait3A = tpu.memref_slice %arg2[%mul3A_2, %add3A_23] : memref<1024x16384xf32, #tpu.memory_space<hbm>> -> memref<32x1024xf32, #tpu.memory_space<hbm>>
        %dma_wait3A_33 = tpu.memref_slice %arg2[%mul3A_2, %add3A_23] : memref<1024x16384xf32, #tpu.memory_space<hbm>> -> memref<32x1024xf32, #tpu.memory_space<hbm>>
        tpu.wait_dma2 semaphore(%run_scoped3A : memref<!tpu.dma_semaphore, #tpu.memory_space<semaphore_mem>>) src(%dma_wait3A_33 : memref<32x1024xf32, #tpu.memory_space<hbm>>) dst(%arg6 : memref<32x1024xf32, #tpu.memory_space<vmem>>)
        tpu.yield
      }) : () -> ()
      %scan3A_24 = arith.constant 0 : i32
      %scan3A_25 = arith.constant 0 : i32
      %scan3A_26 = arith.constant 64 : i32
      %scan3A_27 = arith.addi %scan3A_25, %scan3A_26 : i32
      %scan3A_28 = arith.constant 1 : i32
      %scan3A_29 = scf.for %scan3A_32 = %scan3A_25 to %scan3A_27 step %scan3A_28 iter_args(%scan3A_33 = %scan3A_24) -> (i32)  : i32 {
        %mul3A_34 = arith.constant 1024 : i32
        %mul3A_35 = arith.muli %scan3A_18, %mul3A_34 : i32
        %mul3A_36 = arith.constant 16 : i32
        %mul3A_37 = arith.muli %scan3A_32, %mul3A_36 : i32
        %add3A_38 = arith.addi %mul3A_35, %mul3A_37 : i32
        %get3A = arith.index_cast %add3A_38 : i32 to index
        %get3A_39 = tpu.vector_load %arg7[%get3A] {strides = array<i32>} : memref<2048xf32, #tpu.memory_space<vmem>>, vector<16xf32>,
        %get3A_40 = arith.index_cast %add3A_38 : i32 to index
        %get3A_41 = tpu.vector_load %arg8[%get3A_40] {strides = array<i32>} : memref<2048xi32, #tpu.memory_space<vmem>>, vector<16xi32>,
        %scan3A_42 = arith.constant 0 : i32
        %scan3A_43 = arith.constant 0 : i32
        %scan3A_44 = arith.constant 32 : i32
        %scan3A_45 = arith.addi %scan3A_43, %scan3A_44 : i32
        %scan3A_46 = arith.constant 1 : i32
        %scan3A_47 = scf.for %scan3A_50 = %scan3A_43 to %scan3A_45 step %scan3A_46 iter_args(%scan3A_51 = %scan3A_42) -> (i32)  : i32 {
          %mul3A_52 = arith.constant 16 : i32
          %mul3A_53 = arith.muli %scan3A_32, %mul3A_52 : i32
          %get3A_54 = arith.index_cast %scan3A_50 : i32 to index
          %get3A_55 = arith.index_cast %mul3A_53 : i32 to index
          %get3A_56 = tpu.vector_load %arg6[%get3A_54, %get3A_55] {strides = array<i32>} : memref<32x1024xf32, #tpu.memory_space<vmem>>, vector<16xf32>,
          %mul3A_57 = arith.mulf %get3A_56, %get3A_39 : vector<16xf32>
          %mul3A_58 = arith.constant 128 : i32
          %mul3A_59 = arith.muli %scan3A_50, %mul3A_58 : i32
          %add3A_60 = vector.broadcast %mul3A_59 : i32 to vector<16xi32>
          %add3A_61 = arith.addi %get3A_41, %add3A_60 : vector<16xi32>
          tpu.vector_store_idx %arg9[%add3A_61], %mul3A_57 {add = true} : memref<4096xf32, #tpu.memory_space<vmem>>[vector<16xi32>], vector<16xf32>,
          %scan3A_62 = arith.constant 0 : i32
          scf.yield %scan3A_62 : i32
        }
        %scan3A_48 = arith.constant 32 : i32
        %scan3A_49 = arith.constant 0 : i32
        scf.yield %scan3A_49 : i32
      }
      %scan3A_30 = arith.constant 64 : i32
      %scan3A_31 = arith.constant 0 : i32
      scf.yield %scan3A_31 : i32
    }
    %scan3A_15 = arith.constant 2 : i32
    %mul3A_16 = arith.constant 128 : i32
    %mul3A_17 = arith.muli %mul3A_2, %mul3A_16 : i32
    "tpu.region"() ({
      %run_scoped3A = tpu.sem_alloc : memref<!tpu.dma_semaphore, #tpu.memory_space<semaphore_mem>>
      %dma_start3A = tpu.memref_slice %arg5[%mul3A_17] : memref<131072xf32, #tpu.memory_space<hbm>> -> memref<4096xf32, #tpu.memory_space<hbm>>
      %dma_start3A_18 = tpu.memref_slice %arg5[%mul3A_17] : memref<131072xf32, #tpu.memory_space<hbm>> -> memref<4096xf32, #tpu.memory_space<hbm>>
      tpu.enqueue_dma source(%arg9 : memref<4096xf32, #tpu.memory_space<vmem>>) target(%dma_start3A_18 : memref<4096xf32, #tpu.memory_space<hbm>>) target_semaphore(%run_scoped3A : memref<!tpu.dma_semaphore, #tpu.memory_space<semaphore_mem>>)
      %dma_wait3A = tpu.memref_slice %arg5[%mul3A_17] : memref<131072xf32, #tpu.memory_space<hbm>> -> memref<4096xf32, #tpu.memory_space<hbm>>
      %dma_wait3A_19 = tpu.memref_slice %arg5[%mul3A_17] : memref<131072xf32, #tpu.memory_space<hbm>> -> memref<4096xf32, #tpu.memory_space<hbm>>
      tpu.wait_dma2 semaphore(%run_scoped3A : memref<!tpu.dma_semaphore, #tpu.memory_space<semaphore_mem>>) src(%arg9 : memref<4096xf32, #tpu.memory_space<vmem>>) dst(%dma_wait3A_19 : memref<4096xf32, #tpu.memory_space<hbm>>)
      tpu.yield
    }) : () -> ()
    return
  }
}

module attributes {stable_mosaic.version = 14 : i64} {
  func.func @_combine_kernel(%arg0: memref<1024x128xf32, #tpu.memory_space<vmem>>, %arg1: memref<1024x128xf32, #tpu.memory_space<vmem>>, %arg2: memref<1x128xf32, #tpu.memory_space<vmem>>, %arg3: memref<1x128xf32, #tpu.memory_space<vmem>>, %arg4: memref<1x128xf32, #tpu.memory_space<vmem>>, %arg5: memref<1024x128xf32, #tpu.memory_space<vmem>>) attributes {dimension_semantics = [], scalar_prefetch = 0 : i64, scratch_operands = 0 : i64, tpu.core_type = #tpu.core_type<tc>} {
    %get3A = arith.constant 0 : index
    %get3A_0 = arith.constant 0 : index
    %get3A_1 = vector.load %arg0[%get3A, %get3A_0] : memref<1024x128xf32, #tpu.memory_space<vmem>>, vector<1024x128xf32>
    %get3A_2 = arith.constant 0 : index
    %get3A_3 = arith.constant 0 : index
    %get3A_4 = vector.load %arg1[%get3A_2, %get3A_3] : memref<1024x128xf32, #tpu.memory_space<vmem>>, vector<1024x128xf32>
    %add3A = arith.addf %get3A_1, %get3A_4 : vector<1024x128xf32>
    %max3A = arith.constant 0.000000e+00 : f32
    %max3A_5 = vector.broadcast %max3A : f32 to vector<1024x128xf32>
    %max3A_6 = arith.maximumf %add3A, %max3A_5 : vector<1024x128xf32>
    %reduce_sum3A = arith.constant dense<0.000000e+00> : vector<128xf32>
    %reduce_sum3A_7 = vector.multi_reduction <add>, %max3A_6, %reduce_sum3A [0] : vector<1024x128xf32> to vector<128xf32>
    %broadcast_in_dim3A = vector.shape_cast %reduce_sum3A_7 : vector<128xf32> to vector<1x128xf32>
    %div3A = arith.constant 1.024000e+03 : f32
    %div3A_8 = vector.broadcast %div3A : f32 to vector<1x128xf32>
    %div3A_9 = arith.divf %broadcast_in_dim3A, %div3A_8 : vector<1x128xf32>
    %sub3A = vector.broadcast %div3A_9 : vector<1x128xf32> to vector<1024x128xf32>
    %sub3A_10 = arith.subf %max3A_6, %sub3A : vector<1024x128xf32>
    %mul3A = arith.mulf %sub3A_10, %sub3A_10 : vector<1024x128xf32>
    %reduce_sum3A_11 = arith.constant dense<0.000000e+00> : vector<128xf32>
    %reduce_sum3A_12 = vector.multi_reduction <add>, %mul3A, %reduce_sum3A_11 [0] : vector<1024x128xf32> to vector<128xf32>
    %broadcast_in_dim3A_13 = vector.shape_cast %reduce_sum3A_12 : vector<128xf32> to vector<1x128xf32>
    %div3A_14 = arith.constant 1.024000e+03 : f32
    %div3A_15 = vector.broadcast %div3A_14 : f32 to vector<1x128xf32>
    %div3A_16 = arith.divf %broadcast_in_dim3A_13, %div3A_15 : vector<1x128xf32>
    %add3A_17 = arith.constant 9.99999974E-6 : f32
    %add3A_18 = vector.broadcast %add3A_17 : f32 to vector<1x128xf32>
    %add3A_19 = arith.addf %div3A_16, %add3A_18 : vector<1x128xf32>
    %rsqrt3A = math.rsqrt %add3A_19 : vector<1x128xf32>
    %mul3A_20 = vector.broadcast %rsqrt3A : vector<1x128xf32> to vector<1024x128xf32>
    %mul3A_21 = arith.mulf %sub3A_10, %mul3A_20 : vector<1024x128xf32>
    %get3A_22 = arith.constant 0 : index
    %get3A_23 = arith.constant 0 : index
    %get3A_24 = vector.load %arg2[%get3A_22, %get3A_23] : memref<1x128xf32, #tpu.memory_space<vmem>>, vector<1x128xf32>
    %mul3A_25 = vector.broadcast %get3A_24 : vector<1x128xf32> to vector<1024x128xf32>
    %mul3A_26 = arith.mulf %mul3A_21, %mul3A_25 : vector<1024x128xf32>
    %get3A_27 = arith.constant 0 : index
    %get3A_28 = arith.constant 0 : index
    %get3A_29 = vector.load %arg3[%get3A_27, %get3A_28] : memref<1x128xf32, #tpu.memory_space<vmem>>, vector<1x128xf32>
    %add3A_30 = vector.broadcast %get3A_29 : vector<1x128xf32> to vector<1024x128xf32>
    %add3A_31 = arith.addf %mul3A_26, %add3A_30 : vector<1024x128xf32>
    %get3A_32 = arith.constant 0 : index
    %get3A_33 = arith.constant 0 : index
    %get3A_34 = vector.load %arg4[%get3A_32, %get3A_33] : memref<1x128xf32, #tpu.memory_space<vmem>>, vector<1x128xf32>
    %logistic3A = arith.negf %get3A_34 : vector<1x128xf32>
    %logistic3A_35 = math.exp %logistic3A : vector<1x128xf32>
    %logistic3A_36 = arith.constant 1.000000e+00 : f32
    %logistic3A_37 = vector.broadcast %logistic3A_36 : f32 to vector<1x128xf32>
    %logistic3A_38 = arith.addf %logistic3A_37, %logistic3A_35 : vector<1x128xf32>
    %logistic3A_39 = arith.divf %logistic3A_37, %logistic3A_38 : vector<1x128xf32>
    %mul3A_40 = vector.broadcast %logistic3A_39 : vector<1x128xf32> to vector<1024x128xf32>
    %mul3A_41 = arith.mulf %add3A_31, %mul3A_40 : vector<1024x128xf32>
    %swap3A = arith.constant 0 : index
    %swap3A_42 = arith.constant 0 : index
    %swap3A_43 = vector.load %arg5[%swap3A, %swap3A_42] : memref<1024x128xf32, #tpu.memory_space<vmem>>, vector<1024x128xf32>
    tpu.vector_store %arg5[%swap3A, %swap3A_42], %mul3A_41 {strides = array<i32>} : memref<1024x128xf32, #tpu.memory_space<vmem>>, vector<1024x128xf32>,
    return
  }
}

module attributes {stable_mosaic.version = 14 : i64} {
  func.func @_tc_main_kernel(%arg0: i32, %arg1: memref<1024x2048xf32, #tpu.memory_space<vmem>>, %arg2: memref<1x2048xf32, #tpu.memory_space<vmem>>, %arg3: memref<1x1x2048xi32, #tpu.memory_space<vmem>>, %arg4: memref<1024x128xf32, #tpu.memory_space<vmem>>, %arg5: memref<1024x128xf32, #tpu.memory_space<vmem>>) attributes {dimension_semantics = [#tpu.dimension_semantics<arbitrary>], iteration_bounds = array<i64: 7>, scalar_prefetch = 0 : i64, scratch_operands = 1 : i64, tpu.core_type = #tpu.core_type<tc>, window_params = [{transform_indices = @transform_0, window_bounds = array<i64: 1024, 2048>}, {transform_indices = @transform_1, window_bounds = array<i64: 1, 2048>}, {transform_indices = @transform_2, window_bounds = array<i64: 1, 1, 2048>}, {pipeline_mode = #tpu.pipeline_mode<synchronous>, transform_indices = @transform_3, window_bounds = array<i64: 1024, 128>}]} {
    %get3A = arith.constant 0 : index
    %get3A_0 = arith.constant 0 : index
    %get3A_1 = arith.constant 0 : index
    %get3A_2 = vector.load %arg3[%get3A, %get3A_0, %get3A_1] : memref<1x1x2048xi32, #tpu.memory_space<vmem>>, vector<1x1x2048xi32>
    %get3A_3 = vector.shape_cast %get3A_2 : vector<1x1x2048xi32> to vector<2048xi32>
    %broadcast_in_dim3A = vector.shape_cast %get3A_3 : vector<2048xi32> to vector<2048x1xi32>
    %iota3A = tpu.iota {dimensions = array<i32: 1>} : vector<2048x128xi32>
    %eq3A = vector.broadcast %broadcast_in_dim3A : vector<2048x1xi32> to vector<2048x128xi32>
    %eq3A_4 = arith.cmpi eq, %eq3A, %iota3A : vector<2048x128xi32>
    %jit3A = arith.constant 1.000000e+00 : f32
    %jit3A_5 = arith.constant 0.000000e+00 : f32
    %broadcast_in_dim3A_6 = vector.broadcast %jit3A : f32 to vector<2048x128xf32>
    %broadcast_in_dim3A_7 = vector.broadcast %jit3A_5 : f32 to vector<2048x128xf32>
    %select_n3A = arith.select %eq3A_4, %broadcast_in_dim3A_6, %broadcast_in_dim3A_7 : vector<2048x128xi1>, vector<2048x128xf32>
    %convert_element_type3A = arith.truncf %select_n3A : vector<2048x128xf32> to vector<2048x128xbf16>
    %get3A_8 = arith.constant 0 : index
    %get3A_9 = arith.constant 0 : index
    %get3A_10 = vector.load %arg1[%get3A_8, %get3A_9] : memref<1024x2048xf32, #tpu.memory_space<vmem>>, vector<1024x2048xf32>
    %get3A_11 = arith.constant 0 : index
    %get3A_12 = arith.constant 0 : index
    %get3A_13 = vector.load %arg2[%get3A_11, %get3A_12] : memref<1x2048xf32, #tpu.memory_space<vmem>>, vector<1x2048xf32>
    %get3A_14 = vector.shape_cast %get3A_13 : vector<1x2048xf32> to vector<2048xf32>
    %broadcast_in_dim3A_15 = vector.shape_cast %get3A_14 : vector<2048xf32> to vector<1x2048xf32>
    %mul3A = vector.broadcast %broadcast_in_dim3A_15 : vector<1x2048xf32> to vector<1024x2048xf32>
    %mul3A_16 = arith.mulf %get3A_10, %mul3A : vector<1024x2048xf32>
    %convert_element_type3A_17 = arith.truncf %mul3A_16 : vector<1024x2048xf32> to vector<1024x2048xbf16>
    %dot_general3A = arith.constant dense<0.000000e+00> : vector<1024x128xf32>
    %dot_general3A_18 = tpu.matmul %convert_element_type3A_17, %convert_element_type3A, %dot_general3A {dimension_numbers = #tpu.dot_dimension_numbers<[1], [0], [0], [1], [0, 0, 1, 1], [], []>, transpose_lhs_hint = false} : vector<1024x2048xbf16>, vector<2048x128xbf16>, vector<1024x128xf32> -> vector<1024x128xf32>
    %eq3A_19 = arith.constant 0 : i32
    %eq3A_20 = arith.cmpi eq, %arg0, %eq3A_19 : i32
    %convert_element_type3A_21 = arith.extui %eq3A_20 : i1 to i32
    %cond3A = arith.constant 0 : i32
    %cond3A_22 = arith.cmpi ne, %convert_element_type3A_21, %cond3A : i32
    scf.if %cond3A_22 {
      %swap3A = arith.constant 0 : index
      %swap3A_32 = arith.constant 0 : index
      %swap3A_33 = vector.load %arg5[%swap3A, %swap3A_32] : memref<1024x128xf32, #tpu.memory_space<vmem>>, vector<1024x128xf32>
      tpu.vector_store %arg5[%swap3A, %swap3A_32], %dot_general3A_18 {strides = array<i32>} : memref<1024x128xf32, #tpu.memory_space<vmem>>, vector<1024x128xf32>,
    } else {
    }
    %gt3A = arith.constant 0 : i32
    %gt3A_23 = arith.cmpi sgt, %arg0, %gt3A : i32
    %convert_element_type3A_24 = arith.extui %gt3A_23 : i1 to i32
    %cond3A_25 = arith.constant 0 : i32
    %cond3A_26 = arith.cmpi ne, %convert_element_type3A_24, %cond3A_25 : i32
    scf.if %cond3A_26 {
      %get3A_32 = arith.constant 0 : index
      %get3A_33 = arith.constant 0 : index
      %get3A_34 = vector.load %arg5[%get3A_32, %get3A_33] : memref<1024x128xf32, #tpu.memory_space<vmem>>, vector<1024x128xf32>
      %add3A = arith.addf %get3A_34, %dot_general3A_18 : vector<1024x128xf32>
      %swap3A = arith.constant 0 : index
      %swap3A_35 = arith.constant 0 : index
      %swap3A_36 = vector.load %arg5[%swap3A, %swap3A_35] : memref<1024x128xf32, #tpu.memory_space<vmem>>, vector<1024x128xf32>
      tpu.vector_store %arg5[%swap3A, %swap3A_35], %add3A {strides = array<i32>} : memref<1024x128xf32, #tpu.memory_space<vmem>>, vector<1024x128xf32>,
    } else {
    }
    %eq3A_27 = arith.constant 6 : i32
    %eq3A_28 = arith.cmpi eq, %arg0, %eq3A_27 : i32
    %convert_element_type3A_29 = arith.extui %eq3A_28 : i1 to i32
    %cond3A_30 = arith.constant 0 : i32
    %cond3A_31 = arith.cmpi ne, %convert_element_type3A_29, %cond3A_30 : i32
    scf.if %cond3A_31 {
      %get3A_32 = arith.constant 0 : index
      %get3A_33 = arith.constant 0 : index
      %get3A_34 = vector.load %arg5[%get3A_32, %get3A_33] : memref<1024x128xf32, #tpu.memory_space<vmem>>, vector<1024x128xf32>
      %swap3A = arith.constant 0 : index
      %swap3A_35 = arith.constant 0 : index
      %swap3A_36 = vector.load %arg4[%swap3A, %swap3A_35] : memref<1024x128xf32, #tpu.memory_space<vmem>>, vector<1024x128xf32>
      tpu.vector_store %arg4[%swap3A, %swap3A_35], %get3A_34 {strides = array<i32>} : memref<1024x128xf32, #tpu.memory_space<vmem>>, vector<1024x128xf32>,
    } else {
    }
    return
  }
  func.func @transform_0(%arg0: i32) -> (i32, i32) {
    %c0_i32 = arith.constant 0 : i32
    %c0_i32_0 = arith.constant 0 : i32
    return %c0_i32, %arg0 : i32, i32
  }
  func.func @transform_1(%arg0: i32) -> (i32, i32) {
    %c0_i32 = arith.constant 0 : i32
    %c0_i32_0 = arith.constant 0 : i32
    return %c0_i32, %arg0 : i32, i32
  }
  func.func @transform_2(%arg0: i32) -> (i32, i32, i32) {
    %c0_i32 = arith.constant 0 : i32
    %c0_i32_0 = arith.constant 0 : i32
    %c0_i32_1 = arith.constant 0 : i32
    return %arg0, %c0_i32, %c0_i32_0 : i32, i32, i32
  }
  func.func @transform_3(%arg0: i32) -> (i32, i32) {
    %c0_i32 = arith.constant 0 : i32
    %c0_i32_0 = arith.constant 0 : i32
    %c0_i32_1 = arith.constant 0 : i32
    return %c0_i32, %c0_i32_0 : i32, i32
  }
}

</mosaic_0001>

<sc_bundles>
// kernel: kernel.5.cloned.1.call-start
scs
__scs_entry_jumppad:
0x0: {  	(pc) =	sbr.rel $0x88, $3  }
0x1: {  	(tag) =	ssettag $0x0;
	lr =	simm.s32 $0x1  }
0x2: {  	[smem:$0x3F9B] =	sst lr;
	_ =	strace $0xD0000000  }
0x3: {  	_ = 	snop  }
0x4: {  	_ = 	snop  }
0x5: {  	_ = 	snop  }
0x6: {  	_ = 	snop  }
0x7: {  	_ = 	snop  }
__scs_overlays_trampoline_lowered:
0x8: {  	[smem:$0x3FAA] =	sst s0  }
0x9: {  	[smem:$0x3FAB] =	sst s1  }
0xa: {  	[smem:$0x3FAC] =	sst s2  }
0xb: {  	[smem:$0x3FAD] =	sst s3  }
0xc: {  	[smem:$0x3FAE] =	sst s4  }
0xd: {  	[smem:$0x3FAF] =	sst s5  }
0xe: {  	[smem:$0x3FB0] =	sst s6  }
0xf: {  	[smem:$0x3FB1] =	sst s7  }
0x10: {  	[smem:$0x3FB2] =	sst s8  }
0x11: {  	[smem:$0x3FB3] =	sst s9;
	s0 =	simm.s32 @!p0 $0x0  }
0x12: {  	s1 =	sld [smem:$0x3F99];
	s0 =	simm.s32 @p0 $0x1  }
0x13: {  	[smem:$0x3FB4] =	sst s0;
	s0 =	simm.s32 @!p1 $0x0  }
0x14: {  	s2 =	sld [smem:$0x3F98];
	s0 =	simm.s32 @p1 $0x1  }
0x15: {  	[smem:$0x3FB5] =	sst s0;
	s0 =	simm.s32 @!p2 $0x0  }
0x16: {  	s3 =	sld [smem:$0x3FDB];
	s0 =	simm.s32 @p2 $0x1  }
0x17: {  	s4 =	simm.s32 $0x1BF5;
	[smem:$0x3FB7] =	sst s0  }
0x18: {  	s0 =	sld [smem:$0x3F9A];
	_ =	swait.ge [sflag:s4], $0x0  }
0x19: {  	s7 =	sld [smem:$0x3F9B]  }
0x1a: {  	s8 =	sadd.s32 $0xFFFFE003, lr  }
0x1b: {  	s9 =	sadd.s32 $0xFFFFFEF7, lr;
	s5 =	simm.s32 $0xFFFFFFFF;
	p2 =	slt.u32 s8, $0xFFFFF086  }
0x1c: {  	p1 =	slt.u32 s9, $0xF7A;
	s5 =	simm.s32 @!p2 $0x0  }
0x1d: {  	s5 =	simm.s32 @p1 $0x1;
	p0 =	seq.s32 s7, s2  }
0x1e: {  	s7 =	smul.u32 @!p0 $0xF7A, s2;
	p2 =	seq.s32 @!p0 s5, $0x0  }
0x1f: {  	s9 =	smul.u32 $0xF7A, s1;
	s8 =	simm.s32 @!p0 $0x1BF5;
	p2 =	por !p2, p0  }
0x20: {  	[sflag:s8] =	ssyncset.s32 @!p0 $0xFFFFF086;
	s6 =	sadd.s32 @!p0 s3, s7;
	s7 =	simm.s32 @!p0 $0x108  }
0x21: {  	s3 =	sadd.s32 s3, s9;
	s6 =	sadd.s32 @!p0 $0x88, s6;
	s7 =	simm.s32 @p2 $0x1082  }
0x22: {  	[simem:s7], [sflag:s8] =	dma.local @!p0 [hbm:s6], $0xF7A  }
0x23: {  	s9 =	sor.u32 $0xD0000000, s2;
	s6 =	simm.s32 $0x108;
	_ =	swait.ge @!p0 [sflag:s8], $0x0  }
0x24: {  	s3 =	sadd.s32 $0x88, s3;
	s6 =	simm.s32 @!p1 $0x1082;
	[sflag:s4] =	ssyncset.s32 $0xFFFFF086  }
0x25: {  	[simem:s6], [sflag:s4] =	dma.local [hbm:s3], $0xF7A  }
0x26: {  	[smem:$0x3F9B] =	sst s1;
	(tag) =	ssettag s2;
	_ =	strace s9  }
0x27: {  	s1 =	sld [smem:$0x3FAB]  }
0x28: {  	s2 =	sld [smem:$0x3FAC]  }
0x29: {  	s4 =	sld [smem:$0x3FAE]  }
0x2a: {  	p0 =	seq.s32 s5, $0x0;
	s5 =	sld [smem:$0x3FAF]  }
0x2b: {  	s6 =	sld [smem:$0x3FB0]  }
0x2c: {  	s7 =	sld [smem:$0x3FB1]  }
0x2d: {  	s3 =	simm.s32 $0x108;
	s8 =	sld [smem:$0x3FB2]  }
0x2e: {  	s3 =	simm.s32 @!p0 $0x1082;
	s9 =	sld [smem:$0x3FB3]  }
0x2f: {  	lr =	sadd.s32 s0, s3;
	s0 =	sld [smem:$0x3FAA]  }
0x30: {  	s3 =	sld [smem:$0x3FAD]  }
0x31: {  	[smem:$0x3FB6] =	sst s10  }
0x32: {  	s10 =	sld [smem:$0x3FB4];
	_ =	sdelay $0x3  }
0x33: {  	p0 =	seq.s32 s10, $0x1;
	s10 =	sld [smem:$0x3FB6];
	_ =	sdelay $0x3  }
0x34: {  	[smem:$0x3FB6] =	sst s10  }
0x35: {  	s10 =	sld [smem:$0x3FB5];
	_ =	sdelay $0x3  }
0x36: {  	p1 =	seq.s32 s10, $0x1;
	s10 =	sld [smem:$0x3FB6];
	_ =	sdelay $0x3  }
0x37: {  	[smem:$0x3FB6] =	sst s10  }
0x38: {  	s10 =	sld [smem:$0x3FB7]  }
0x39: {  	_ = 	snop;
	(pc) =	sbr.ind lr, $3  }
0x3a: {  	_ = 	snop  }
0x3b: {  	_ = 	snop  }
0x3c: {  	p2 =	seq.s32 s10, $0x1;
	s10 =	sld [smem:$0x3FB6]  }
0x3d: {  	_ =	shalt  }
0x3e: {  	_ =	shalt  }
0x3f: {  	_ =	shalt  }
0x40: {  	_ =	shalt  }
0x41: {  	_ =	shalt  }
0x42: {  	_ =	shalt  }
0x43: {  	_ =	shalt  }
0x44: {  	_ =	shalt  }
0x45: {  	_ =	shalt  }
0x46: {  	_ =	shalt  }
0x47: {  	_ =	shalt  }
0x48: {  	_ =	shalt  }
0x49: {  	_ =	shalt  }
0x4a: {  	_ =	shalt  }
0x4b: {  	_ =	shalt  }
0x4c: {  	_ =	shalt  }
0x4d: {  	_ =	shalt  }
0x4e: {  	_ =	shalt  }
0x4f: {  	_ =	shalt  }
0x50: {  	_ =	shalt  }
0x51: {  	_ =	shalt  }
0x52: {  	_ =	shalt  }
0x53: {  	_ =	shalt  }
0x54: {  	_ =	shalt  }
0x55: {  	_ =	shalt  }
0x56: {  	_ =	shalt  }
0x57: {  	_ =	shalt  }
0x58: {  	_ =	shalt  }
0x59: {  	_ =	shalt  }
0x5a: {  	_ =	shalt  }
0x5b: {  	_ =	shalt  }
0x5c: {  	_ =	shalt  }
0x5d: {  	_ =	shalt  }
0x5e: {  	_ =	shalt  }
0x5f: {  	_ =	shalt  }
0x60: {  	_ =	shalt  }
0x61: {  	_ =	shalt  }
0x62: {  	_ =	shalt  }
0x63: {  	_ =	shalt  }
0x64: {  	_ =	shalt  }
0x65: {  	_ =	shalt  }
0x66: {  	_ =	shalt  }
0x67: {  	_ =	shalt  }
0x68: {  	_ =	shalt  }
0x69: {  	_ =	shalt  }
0x6a: {  	_ =	shalt  }
0x6b: {  	_ =	shalt  }
0x6c: {  	_ =	shalt  }
0x6d: {  	_ =	shalt  }
0x6e: {  	_ =	shalt  }
0x6f: {  	_ =	shalt  }
0x70: {  	_ =	shalt  }
0x71: {  	_ =	shalt  }
0x72: {  	_ =	shalt  }
0x73: {  	_ =	shalt  }
0x74: {  	_ =	shalt  }
0x75: {  	_ =	shalt  }
0x76: {  	_ =	shalt  }
0x77: {  	_ =	shalt  }
0x78: {  	_ =	shalt  }
0x79: {  	_ =	shalt  }
0x7a: {  	_ =	shalt  }
0x7b: {  	_ =	shalt  }
0x7c: {  	_ =	shalt  }
0x7d: {  	_ =	shalt  }
0x7e: {  	_ =	shalt  }
0x7f: {  	_ =	shalt  }
0x80: {  	_ =	shalt  }
0x81: {  	_ =	shalt  }
0x82: {  	_ =	shalt  }
0x83: {  	_ =	shalt  }
0x84: {  	_ =	shalt  }
0x85: {  	_ =	shalt  }
0x86: {  	_ =	shalt  }
0x87: {  	_ =	shalt  }
.Lfunc_end0:
.L_simem_size_0:
called_computation_lowered:
.L_overlay_start_0:
0x88: {  	s2 =	sld [smem:$0x3FD9]  }
0x89: {  	s3 =	sld [smem:$0x3FFE];
	_ =	sdelay $0x1  }
0x8a: {  	s1 =	srdreg.scid  }
0x8b: {  	s0 =	sand.u32 $0x1, s1  }
0x8c: {  	s17 =	sshll.u32 s0, $0xA;
	s2 =	sadd.s32 s3, s2  }
0x8d: {  	s2 =	sadd.s32 s2, s17  }
0x8e: {  	[smem:$0x3FC2] =	sst s2  }
0x8f: {  	_ = 	snop  }
0x90: {  	s2 =	sld [smem:$0x3FC9]  }
0x91: {  	s18 =	sld [smem:$0x3FD0];
	(tm) =	ssettm $0x1  }
0x92: {  	s4 =	sld [smem:$0x3FFB];
	_ =	sdelay $0x3  }
0x93: {  	_ =	strace s4  }
0x94: {  	s4 =	sld [smem:$0x3FFC];
	_ =	sdelay $0x3  }
0x95: {  	_ =	strace s4  }
0x96: {  	s4 =	sld [smem:$0x3FFD];
	_ =	sdelay $0x3  }
0x97: {  	_ =	strace s4  }
0x98: {  	_ =	strace $0x8FFFFFFF  }
0x99: {  	s19 =	sld [smem:$0x3FDB];
	_ =	sdelay $0x1  }
0x9a: {  	s5 =	simm.s32 $_scs_section_size  }
0x9b: {  	s6 =	simm.s32 $_size__tile_overlayer_lowered;
	s7 =	simm.s32 $_tile_overlayer_lowered  }
0x9c: {  	s22 =	simm.s32 $0x1BFF;
	s21 =	sshll.u32 s7, $0x1;
	s4 =	sadd.s32 s5, s19  }
0x9d: {  	s8 =	simm.s32 $0x0;
	s20 =	sshll.u32 s6, $0x1;
	s6 =	sadd.s32 s21, s4  }
0x9e: {  	[timem:s8], [sflag:s22] =	dma.local [hbm:s6], s20  }
0x9f: {  	_ =	swait.ge [sflag:s22], s20  }
0xa0: {  	s5 =	ssub.s32 $0x0, s20;
	[sflag:s22] =	ssyncset.done $0x0  }
0xa1: {  	[sflag:s22] =	ssyncadd.s32 s5;
	_ =	sdelay $0x1  }
0xa2: {  	s23 =	simm.s32 $0x1B8B  }
0xa3: {  	_ =	swait.ge [sflag:s23], $0x1  }
0xa4: {  	[sflag:s23] =	ssyncset.done $0x0  }
0xa5: {  	s25 =	simm.s32 $0x1B8E;
	s24 =	sld [smem:$0x3FFE];
	[sflag:s23] =	ssyncadd.s32 $0xFFFFFFFF  }
0xa6: {  	s26 =	simm.s32 $execute0_lowered;
	[smem:$0x3FD2] =	sst s25  }
0xa7: {  	s6 =	sshll.u32 s26, $0x1;
	_ =	strace $0x80000046;
	[dreg:$0x1] =	wrdreg $0xFFFFFFFF  }
0xa8: {  	s28 =	simm.s32 $_size_execute0_lowered;
	s4 =	sadd.s32 s4, s6;
	[dreg:$0x0] =	wrdreg $0x0  }
0xa9: {  	s6 =	sshll.u32 s28, $0x1;
	[dreg:$0x2] =	wrdreg s4  }
0xaa: {  	[dreg:$0x3] =	wrdreg s6  }
0xab: {  	[dreg:$0x4] =	wrdreg $0xC0  }
0xac: {  	_ =	task [dreg:s8], $0x5FFFF  }
0xad: {  	[dreg:$0x1] =	wrdreg $0xFFFFFFFF  }
0xae: {  	[dreg:$0x0] =	wrdreg $0x60  }
0xaf: {  	[dreg:$0x2] =	wrdreg s2  }
0xb0: {  	[dreg:$0x3] =	wrdreg s24  }
0xb1: {  	[dreg:$0x4] =	wrdreg s18  }
0xb2: {  	[dreg:$0x5] =	wrdreg $0x9  }
0xb3: {  	_ =	task.clear_ibuf [dreg:s8], $0x6FFFF;
	_ =	strace $0x90000046  }
0xb4: {  	s29 =	simm.s32 $0x9;
	_ =	strace $0x80000048  }
0xb5: {  	_ =	swait.ge [sflag:s29], $0x1  }
0xb6: {  	[sflag:s29] =	ssyncadd.s32 $0xFFFFFFFF  }
0xb7: {  	_ =	strace $0x90000048  }
0xb8: {  	_ =	sfence  }
0xb9: {  	s30 =	sld [smem:$0x0];
	_ =	sdelay $0x2  }
0xba: {  	s31 =	sshll.u32 s1, $0xD;
	s1 =	sshrl.u32 s1, $0x2  }
0xbb: {  	s3 =	sand.u32 $0x4000, s31;
	s1 =	sadd.s32 s1, s30  }
0xbc: {  	s0 =	sor.u32 s3, s0;
	s1 =	sshll.u32 s1, $0x11  }
0xbd: {  	s0 =	sor.u32 s1, s0  }
0xbe: {  	s0 =	sadd.s32 $0x8F2B, s0  }
0xbf: {  	[sflag:s0] =	ssyncadd.remote.s32 $0x1  }
0xc0: {  	_ =	sfence.sel $0xFFFF  }
0xc1: {  	[dreg:$0x0] =	wrdreg $0xFFFFFFFF;
	(pc) =	sbr.abs _section_cstart, $3  }
0xc2: {  	[dreg:$0x1] =	wrdreg $0xFFFFFFFF  }
0xc3: {  	_ =	task.clear_ibuf [dreg:s8], $0x2FFFF;
	_ =	strace $0x9FFFFFFF  }
0xc4: {  	(tm) =	ssettm $0x7FFFFFFF  }
0xc5: {  	_ =	shalt  }
tec
execute0_lowered:
.L_overlay_start_1:
0x0: {  	(tag) =	ssettag $0x1  }
0x1: {  	s5 =	rddreg [dreg:$0x0]  }
0x2: {  	s4 =	rddreg [dreg:$0x1]  }
0x3: {  	s6 =	rddreg [dreg:$0x2]  }
0x4: {  	s0 =	rddreg [dreg:$0x3]  }
0x5: {  	s2 =	simm.s32 $0x0;
	s3 =	srdreg.scid;
	s1 =	stileid.u32  }
0x6: {  	s11 =	simm.s32 $0x8800;
	s12 =	simm.s32 $0x2000;
	s13 =	simm.s32 $0x20000  }
0x7: {  	s14 =	simm.s32 $0x9000;
	s15 =	simm.s32 $0x0;
	[smem:$0x7FF] =	sst s2  }
0x8: {  	s7 =	sand.u32 $0x1, s3;
	s3 =	sadd.s32 $0x1000, s4;
	s9 =	sshll.u32 s1, $0x1  }
0x9: {  	s4 =	sadd.s32 $0x1200, s4;
	s8 =	ssub.s32 $0x2, s7;
	s7 =	sor.u32 s7, s9  }
0xa: {  	_ =	strace $0x80000047;
	s10 =	sshrl.u32 s8, $0x1;
	s9 =	sshll.u32 s7, $0x10  }
0xb: {  	s7 =	sshll.u32 s7, $0x9;
	s8 =	ssub.s32 s8, s10;
	s9 =	sadd.s32 s5, s9  }
0xc: {  	s5 =	sadd.s32 s6, s7;
	s10 =	simm.s32 $0x1;
	s6 =	smax.u32 s8, $0x1  }
0xd: {  	v0 =	vimm.f32 $0.0e+00;
	s7 =	sadd.s32 $0x3800, s9;
	s8 =	sadd.s32 $0x3C00, s9;
	s9 =	simm.s32 $0x8000  }
.LBB2_1:
0xe: {  	[tilespmem:s9], [sflag:$0x1] =	stream.linear.gather [hbm4b:s3+s2], $0x800, $0x38;
	[tilespmem:$0xA000] =	vst v63  }
0xf: {  	_ =	swait.ge [sflag:s10], $0x800  }
0x10: {  	[sflag:s10] =	ssyncset.done $0x0  }
0x11: {  	[sflag:s10] =	ssyncadd.s32 $0xFFFFF800  }
0x12: {  	[tilespmem:s11], [sflag:$0x1] =	stream.linear.gather [hbm4b:s4+s2], $0x800, $0x38;
	[tilespmem:$0xA000] =	vst v63  }
0x13: {  	_ =	swait.ge [sflag:s10], $0x800  }
0x14: {  	[sflag:s10] =	ssyncset.done $0x0  }
0x15: {  	s16 =	simm.s32 $0x40;
	s17 =	simm.s32 $0x0;
	[sflag:s10] =	ssyncadd.s32 $0xFFFFF800  }
.LBB2_2:
0x16: {  	p0 =	sne.s32 s16, $0x3FC0;
	[tilespmem:s17+$0x9000] =	vst v0;
	s17 =	smov.u32 s16;
	s16 =	sadd.s32 $0x40, s16  }
.Ltmp0:
0x17: {  	(pc) =	sbr.rel @p0 .LBB2_2-.Ltmp0, $2  }
0x18: {  	_ =	sdelay $0x2  }
0x19: {  	s17 =	sshra.s32 s17, $0x2  }
0x1a: {  	[tilespmem:s17+$0x9000] =	vst v0;
	s16 =	simm.s32 $0x0  }
0x1b: {  	[tilespmem:s16], [sflag:$0x1] =	stream.strided.gather [hbm4b:s7+s12], $0x8000, s13, s12, $0x38;
	[tilespmem:$0xA000] =	vst v63  }
0x1c: {  	_ =	swait.ge [sflag:s10], $0x8000  }
0x1d: {  	[sflag:s10] =	ssyncset.done $0x0  }
0x1e: {  	s17 =	simm.s32 $0x0;
	[sflag:s10] =	ssyncadd.s32 $0xFFFF8000  }
.LBB2_4:
0x1f: {  	s19 =	sshll.u32 s17, $0x4  }
0x20: {  	s18 =	sand.u32 $0x70, s19  }
0x21: {  	v1 =	vmov s18  }
0x22: {  	s29 =	sshll.u32 s17, $0x7  }
0x23: {  	s20 =	sand.u32 $0x6000, s16;
	v3 =	vld [tilespmem:s19+$0x8800];
	s18 =	sand.u32 $0x1C00, s29  }
0x24: {  	s21 =	sand.u32 $0x380, s16;
	s20 =	sor.u32 s20, s18  }
0x25: {  	v2 =	vld [tilespmem:s19+$0x8000];
	s30 =	sadd.s32 s21, s20  }
0x26: {  	v5 =	vld.idx.msk [tilespmem:v1+s30+$0x0 ss:$0x1], $0xffff;
	_ =	sdelay $0x1  }
0x27: {  	v4 =	vadd.s32 s16, v3;
	_ =	sdelay $0x1  }
0x28: {  	s31 =	simm.s32 $0x400  }
0x29: {  	s19 =	simm.s32 $0x80;
	s21 =	sand.u32 $0x6000, s31;
	s20 =	simm.s32 $0x800;
	v5 =	vmul.f32 v5, v2  }
.LBB2_5:
0x2a: {  	p0 =	sne.s32 s20, $0x7C00;
	s22 =	sand.u32 $0x380, s19;
	s21 =	sor.u32 s21, s18  }
0x2b: {  	s21 =	sadd.s32 s22, s21;
	[tilespmem:v4+s14+$0x0] =	vst.idx.add.f32.msk $0xffff, v5  }
0x2c: {  	v5 =	vld.idx.msk [tilespmem:v1+s21+$0x0 ss:$0x1], $0xffff;
	_ =	sdelay $0x1  }
.Ltmp1:
0x2d: {  	(pc) =	sbr.rel @p0 .LBB2_5-.Ltmp1, $2  }
0x2e: {  	v4 =	vadd.s32 s19, v3;
	_ =	sdelay $0x2  }
0x2f: {  	s19 =	sadd.s32 $0x80, s19;
	s21 =	sand.u32 $0x6000, s20;
	s20 =	sadd.s32 $0x400, s20;
	v5 =	vmul.f32 v5, v2  }
0x30: {  	_ =	sdelay $0x2  }
0x31: {  	s20 =	sand.u32 $0x380, s19;
	s18 =	sor.u32 s21, s18  }
0x32: {  	s18 =	sadd.s32 s20, s18;
	[tilespmem:v4+s14+$0x0] =	vst.idx.add.f32.msk $0xffff, v5  }
0x33: {  	v1 =	vld.idx.msk [tilespmem:v1+s18+$0x0 ss:$0x1], $0xffff  }
0x34: {  	s17 =	sadd.s32 $0x1, s17  }
0x35: {  	v3 =	vadd.s32 s19, v3;
	p0 =	sne.s32 s17, $0x40  }
.Ltmp2:
0x36: {  	_ = 	snop;
	(pc) =	sbr.rel @p0 .LBB2_4-.Ltmp2, $3  }
0x37: {  	_ = 	snop  }
0x38: {  	v1 =	vmul.f32 v1, v2;
	_ =	sdelay $0x1  }
0x39: {  	[tilespmem:v3+s14+$0x0] =	vst.idx.add.f32.msk $0xffff, v1  }
0x3a: {  	s16 =	simm.s32 $0x0  }
0x3b: {  	[tilespmem:s16], [sflag:$0x1] =	stream.strided.gather [hbm4b:s8+s12], $0x8000, s13, s12, $0x38;
	[tilespmem:$0xA000] =	vst v63  }
0x3c: {  	_ =	swait.ge [sflag:s10], $0x8000  }
0x3d: {  	[sflag:s10] =	ssyncset.done $0x0  }
0x3e: {  	s17 =	simm.s32 $0x0;
	[sflag:s10] =	ssyncadd.s32 $0xFFFF8000  }
.LBB2_8:
0x3f: {  	s19 =	sshll.u32 s17, $0x4  }
0x40: {  	s18 =	sand.u32 $0x70, s19  }
0x41: {  	v1 =	vmov s18  }
0x42: {  	s29 =	sshll.u32 s17, $0x7  }
0x43: {  	s20 =	sand.u32 $0x6000, s16;
	v3 =	vld [tilespmem:s19+$0x8C00];
	s18 =	sand.u32 $0x1C00, s29  }
0x44: {  	s21 =	sand.u32 $0x380, s16;
	s20 =	sor.u32 s20, s18  }
0x45: {  	v2 =	vld [tilespmem:s19+$0x8400];
	s30 =	sadd.s32 s21, s20  }
0x46: {  	v5 =	vld.idx.msk [tilespmem:v1+s30+$0x0 ss:$0x1], $0xffff;
	_ =	sdelay $0x1  }
0x47: {  	v4 =	vadd.s32 s16, v3;
	_ =	sdelay $0x1  }
0x48: {  	s31 =	simm.s32 $0x400  }
0x49: {  	s19 =	simm.s32 $0x80;
	s21 =	sand.u32 $0x6000, s31;
	s20 =	simm.s32 $0x800;
	v5 =	vmul.f32 v5, v2  }
.LBB2_9:
0x4a: {  	p0 =	sne.s32 s20, $0x7C00;
	s22 =	sand.u32 $0x380, s19;
	s21 =	sor.u32 s21, s18  }
0x4b: {  	s21 =	sadd.s32 s22, s21;
	[tilespmem:v4+s14+$0x0] =	vst.idx.add.f32.msk $0xffff, v5  }
0x4c: {  	v5 =	vld.idx.msk [tilespmem:v1+s21+$0x0 ss:$0x1], $0xffff;
	_ =	sdelay $0x1  }
.Ltmp3:
0x4d: {  	(pc) =	sbr.rel @p0 .LBB2_9-.Ltmp3, $2  }
0x4e: {  	v4 =	vadd.s32 s19, v3;
	_ =	sdelay $0x2  }
0x4f: {  	s19 =	sadd.s32 $0x80, s19;
	s21 =	sand.u32 $0x6000, s20;
	s20 =	sadd.s32 $0x400, s20;
	v5 =	vmul.f32 v5, v2  }
0x50: {  	_ =	sdelay $0x2  }
0x51: {  	s20 =	sand.u32 $0x380, s19;
	s18 =	sor.u32 s21, s18  }
0x52: {  	s18 =	sadd.s32 s20, s18;
	[tilespmem:v4+s14+$0x0] =	vst.idx.add.f32.msk $0xffff, v5  }
0x53: {  	v1 =	vld.idx.msk [tilespmem:v1+s18+$0x0 ss:$0x1], $0xffff  }
0x54: {  	s17 =	sadd.s32 $0x1, s17  }
0x55: {  	v3 =	vadd.s32 s19, v3;
	p0 =	sne.s32 s17, $0x40  }
.Ltmp4:
0x56: {  	_ = 	snop;
	(pc) =	sbr.rel @p0 .LBB2_8-.Ltmp4, $3  }
0x57: {  	_ = 	snop  }
0x58: {  	v1 =	vmul.f32 v1, v2;
	_ =	sdelay $0x1  }
0x59: {  	[tilespmem:v3+s14+$0x0] =	vst.idx.add.f32.msk $0xffff, v1  }
0x5a: {  	s15 =	sadd.s32 $0x1, s15  }
0x5b: {  	p0 =	sne.s32 s15, s6  }
.Ltmp5:
0x5c: {  	_ = 	snop;
	(pc) =	sbr.rel @p0 .LBB2_1-.Ltmp5, $4  }
0x5d: {  	[hbm4b:s5+s2] =	stream.linear.scatter [tilespmem:s14], [sflag:$0x1], $0x1000, $0x38;
	[tilespmem:$0xA000] =	vst v63  }
0x5e: {  	_ =	swait.ge [sflag:s10], $0x1000  }
0x5f: {  	[sflag:s10] =	ssyncset.done $0x0  }
0x60: {  	[sflag:s10] =	ssyncadd.s32 $0xFFFFF000  }
0x61: {  	_ =	sfence.sel $0x180000  }
0x62: {  	[bflag:$0x0] =	sbarrier.arrive $0xFFFF  }
0x63: {  	p0 =	sne.s32 s1, $0x0;
	_ =	strace $0x90000047  }
0x64: {  	s0 =	sadd.s32 @!p0 $0x100000, s0;
	[bflag:$0x2] =	sbarrier.arrive $0xFFFF  }
0x65: {  	[sflag:s0] =	ssyncadd.tile.s32 @!p0 $0x1;
	_ =	shalt  }
.Lfunc_end2:
_tile_overlayer_lowered:
.L_overlay_start_2:
0x66: {  	(tag) =	ssettag $0x2  }
0x67: {  	s0 =	rddreg [dreg:$0x0];
	s2 =	stileid.u32  }
0x68: {  	s1 =	rddreg [dreg:$0x1];
	p0 =	sne.s32 s2, $0x0  }
0x69: {  	s3 =	rddreg [dreg:$0x2];
	[bflag:$0x3] =	sbarrier.arrive $0xFFFF;
	s2 =	simm.s32 @!p0 $0x1C01  }
0x6a: {  	[timem:s3], [sflag:s2] =	dma.local @!p0 [hbm:s0], s1  }
0x6b: {  	s0 =	simm.s32 @!p0 $0x1  }
0x6c: {  	_ =	swait.ge @!p0 [sflag:s0], s1  }
0x6d: {  	s1 =	ssub.s32 @!p0 $0x0, s1;
	[sflag:s0] =	ssyncset.done @!p0 $0x0  }
0x6e: {  	[sflag:s0] =	ssyncadd.s32 @!p0 s1  }
0x6f: {  	[bflag:$0x3] =	sbarrier.arrive $0xFFFF  }
0x70: {  	_ =	shalt  }

</sc_bundles>
